<compile_context>
chip_gen: v7x
topology: tpu7x:2x2x1
jax: 0.10.2.dev20260603
libtpu: 0.0.44.dev20260713+nightly
codegen_flags: <defaults>
</compile_context>

<pallas_src>
import functools
import jax
import jax.numpy as jnp
from jax import lax
from jax.experimental import pallas as pl
from jax.experimental.pallas import tpu as pltpu
from jax.experimental.pallas import tpu_sc as plsc

_NC = 2
_NS = 16


def _magic_div(ncol, pmax):
    for shift in range(16, 31):
        mul = (1 << shift) // ncol + 1
        if all((p * mul) >> shift == p // ncol for p in range(pmax)):
            return mul, shift
    raise ValueError(f"no exact multiply-shift division for {ncol=}, {pmax=}")


def _linearize_body(rows_per_w, b_per_w, ncol, div_mul, div_shift,
                    xt_hbm, idx_hbm, stage_v, idx_v, sem):
    wid = lax.axis_index("s") * _NC + lax.axis_index("c")
    pltpu.sync_copy(xt_hbm.at[:, pl.ds(wid * rows_per_w, rows_per_w)], stage_v)
    lane = lax.iota(jnp.int32, 16)

    def linearize(k, carry):
        p = k * 16 + lane
        r = lax.shift_right_logical(p * div_mul, div_shift)
        c = p - r * ncol
        idx_v[pl.ds(k * 16, 16)] = plsc.load_gather(stage_v, [c, r])
        return carry

    lax.fori_loop(0, b_per_w // 16, linearize, 0, unroll=8)
    pltpu.sync_copy(idx_v, idx_hbm.at[pl.ds(wid * b_per_w, b_per_w)])


def _flat_gather_body(b_per_w, table_hbm, idx_hbm, out_hbm,
                      idx_v, rows_v, sem):
    wid = lax.axis_index("s") * _NC + lax.axis_index("c")
    base = wid * b_per_w
    pltpu.sync_copy(idx_hbm.at[pl.ds(base, b_per_w)], idx_v)
    pltpu.async_copy(table_hbm.at[idx_v], rows_v, sem).wait()
    pltpu.sync_copy(rows_v, out_hbm.at[pl.ds(base, b_per_w)])


def kernel(x, emb_weight):
    B = x.shape[0] * x.shape[1]
    nw = _NC * _NS
    b_per_w = B // nw
    rows_per_w = x.shape[0] // nw
    ncol = x.shape[1]
    assert B % nw == 0 and b_per_w % 8 == 0

    idx = x.astype(jnp.int32)
    div_mul, div_shift = _magic_div(ncol, b_per_w)
    mesh = plsc.VectorSubcoreMesh(core_axis_name="c", subcore_axis_name="s")

    linearize = pl.kernel(
        functools.partial(_linearize_body, rows_per_w, b_per_w, ncol,
                          div_mul, div_shift),
        mesh=mesh,
        out_type=jax.ShapeDtypeStruct((B,), jnp.int32),
        scratch_types=[
            pltpu.VMEM((ncol, rows_per_w), jnp.int32),
            pltpu.VMEM((b_per_w,), jnp.int32),
            pltpu.SemaphoreType.DMA,
        ],
        compiler_params=pltpu.CompilerParams(needs_layout_passes=False),
    )

    flat_gather = pl.kernel(
        functools.partial(_flat_gather_body, b_per_w),
        mesh=mesh,
        out_type=jax.ShapeDtypeStruct((B,), jnp.float32),
        scratch_types=[
            pltpu.VMEM((b_per_w,), jnp.int32),
            pltpu.VMEM((b_per_w,), jnp.float32),
            pltpu.SemaphoreType.DMA,
        ],
        compiler_params=pltpu.CompilerParams(needs_layout_passes=False),
    )

    idx_flat = linearize(idx.T)
    out = flat_gather(emb_weight.reshape(-1), idx_flat)
    return out.reshape(-1, emb_weight.shape[1])

# --- scband reference (transcript-rebuilt; emitter-appended) ---
"""Pipeline reference for scband-logistic-regression-69690139345376 (READ-ONLY COPY).

The authoritative reference and input builder live on the scoring server;
editing this copy changes nothing except your own understanding.
"""

import jax, jax.numpy as jnp
import numpy as np

TOTAL_VOCAB = 1000000
TOTAL_LABELS = 1

def setup_inputs(seed: int = 0) -> dict:
    key = jax.random.key(seed)
    k1, k2 = jax.random.split(key)
    x = jax.random.randint(k1, (16384, 26), 0, TOTAL_VOCAB, dtype=jnp.int64)
    emb_weight = jax.random.normal(k2, (TOTAL_VOCAB, TOTAL_LABELS), dtype=jnp.float32)
    return {"x": x, "emb_weight": emb_weight}

def reference(x, emb_weight):
    # nn.Embedding lookup: gather rows of the table by index
    out = jnp.take(emb_weight, x, axis=0)  # [16384, 26, TOTAL_LABELS]
    out = out.reshape(-1, TOTAL_LABELS)    # [16384*26, TOTAL_LABELS]
    return out

if __name__ == "__main__":
    import jax
    _d = setup_inputs()
    print(jax.jit(kernel)(*tuple(_d.values())))

</pallas_src>

<mosaic_0001>
#map = affine_map<(d0, d1) -> (0, 0)>
#map1 = affine_map<(d0, d1) -> (0)>
module attributes {stable_mosaic.version = 14 : i64} {
  func.func @_linearize_body(%arg0: i32, %arg1: i32, %arg2: memref<26x16384xi32, #tpu.memory_space<hbm>>, %arg3: memref<425984xi32, #tpu.memory_space<hbm>>, %arg4: memref<26x512xi32, #tpu.memory_space<vmem>>, %arg5: memref<13312xi32, #tpu.memory_space<vmem>>, %arg6: memref<!tpu.dma_semaphore, #tpu.memory_space<semaphore_mem>>) attributes {dimension_semantics = [#tpu.dimension_semantics<core_parallel>, #tpu.dimension_semantics<subcore_parallel>], iteration_bounds = array<i64: 2, 16>, scalar_prefetch = 0 : i64, scratch_operands = 3 : i64, tpu.core_type = #tpu.core_type<sc_vector_subcore>, window_params = [{transform_indices = #map}, {transform_indices = #map1}]} {
    %mul3A = arith.constant 2 : i32
    %mul3A_0 = arith.muli %arg1, %mul3A : i32
    %add3A = arith.addi %mul3A_0, %arg0 : i32
    %mul3A_1 = arith.constant 512 : i32
    %mul3A_2 = arith.muli %add3A, %mul3A_1 : i32
    "tpu.region"() ({
      %run_scoped3A = tpu.sem_alloc : memref<!tpu.dma_semaphore, #tpu.memory_space<semaphore_mem>>
      %dma_start3A = arith.constant 0 : i32
      %dma_start3A_10 = tpu.memref_slice %arg2[%dma_start3A, %mul3A_2] : memref<26x16384xi32, #tpu.memory_space<hbm>> -> memref<26x512xi32, #tpu.memory_space<hbm>>
      %dma_start3A_11 = arith.constant 0 : i32
      %dma_start3A_12 = tpu.memref_slice %arg2[%dma_start3A_11, %mul3A_2] : memref<26x16384xi32, #tpu.memory_space<hbm>> -> memref<26x512xi32, #tpu.memory_space<hbm>>
      tpu.enqueue_dma source(%dma_start3A_12 : memref<26x512xi32, #tpu.memory_space<hbm>>) target(%arg4 : memref<26x512xi32, #tpu.memory_space<vmem>>) target_semaphore(%run_scoped3A : memref<!tpu.dma_semaphore, #tpu.memory_space<semaphore_mem>>)
      %dma_wait3A = arith.constant 0 : i32
      %dma_wait3A_13 = tpu.memref_slice %arg2[%dma_wait3A, %mul3A_2] : memref<26x16384xi32, #tpu.memory_space<hbm>> -> memref<26x512xi32, #tpu.memory_space<hbm>>
      %dma_wait3A_14 = arith.constant 0 : i32
      %dma_wait3A_15 = tpu.memref_slice %arg2[%dma_wait3A_14, %mul3A_2] : memref<26x16384xi32, #tpu.memory_space<hbm>> -> memref<26x512xi32, #tpu.memory_space<hbm>>
      tpu.wait_dma2 semaphore(%run_scoped3A : memref<!tpu.dma_semaphore, #tpu.memory_space<semaphore_mem>>) src(%dma_wait3A_15 : memref<26x512xi32, #tpu.memory_space<hbm>>) dst(%arg4 : memref<26x512xi32, #tpu.memory_space<vmem>>)
      tpu.yield
    }) : () -> ()
    %iota3A = tpu.iota {dimensions = array<i32: 0>} : vector<16xi32>
    %scan3A = arith.constant 0 : i32
    %scan3A_3 = arith.constant 0 : i32
    %scan3A_4 = arith.constant 832 : i32
    %scan3A_5 = arith.addi %scan3A_3, %scan3A_4 : i32
    %scan3A_6 = arith.constant 8 : i32
    scf.for %scan3A_10 = %scan3A_3 to %scan3A_5 step %scan3A_6  : i32 {
      %mul3A_11 = arith.constant 16 : i32
      %mul3A_12 = arith.muli %scan3A_10, %mul3A_11 : i32
      %add3A_13 = vector.broadcast %mul3A_12 : i32 to vector<16xi32>
      %add3A_14 = arith.addi %add3A_13, %iota3A : vector<16xi32>
      %mul3A_15 = arith.constant 10083 : i32
      %mul3A_16 = vector.broadcast %mul3A_15 : i32 to vector<16xi32>
      %mul3A_17 = arith.muli %add3A_14, %mul3A_16 : vector<16xi32>
      %shift_right_logical3A = arith.constant 18 : i32
      %shift_right_logical3A_18 = vector.broadcast %shift_right_logical3A : i32 to vector<16xi32>
      %shift_right_logical3A_19 = arith.shrui %mul3A_17, %shift_right_logical3A_18 : vector<16xi32>
      %mul3A_20 = arith.constant 26 : i32
      %mul3A_21 = vector.broadcast %mul3A_20 : i32 to vector<16xi32>
      %mul3A_22 = arith.muli %shift_right_logical3A_19, %mul3A_21 : vector<16xi32>
      %sub3A = arith.subi %add3A_14, %mul3A_22 : vector<16xi32>
      %gather3A = tpu.vector_load_idx %arg4[%sub3A, %shift_right_logical3A_19] : memref<26x512xi32, #tpu.memory_space<vmem>>[vector<16xi32>, vector<16xi32>], vector<16xi32>,
      %mul3A_23 = arith.constant 16 : i32
      %mul3A_24 = arith.muli %scan3A_10, %mul3A_23 : i32
      %swap3A = arith.index_cast %mul3A_24 : i32 to index
      %swap3A_25 = tpu.vector_load %arg5[%swap3A] {strides = array<i32>} : memref<13312xi32, #tpu.memory_space<vmem>>, vector<16xi32>,
      tpu.vector_store %arg5[%swap3A], %gather3A {strides = array<i32>} : memref<13312xi32, #tpu.memory_space<vmem>>, vector<16xi32>,
      %scan3A_26 = arith.constant 1 : i32
      %scan3A_27 = arith.addi %scan3A_10, %scan3A_26 : i32
      %mul3A_28 = arith.constant 16 : i32
      %mul3A_29 = arith.muli %scan3A_27, %mul3A_28 : i32
      %add3A_30 = vector.broadcast %mul3A_29 : i32 to vector<16xi32>
      %add3A_31 = arith.addi %add3A_30, %iota3A : vector<16xi32>
      %mul3A_32 = arith.constant 10083 : i32
      %mul3A_33 = vector.broadcast %mul3A_32 : i32 to vector<16xi32>
      %mul3A_34 = arith.muli %add3A_31, %mul3A_33 : vector<16xi32>
      %shift_right_logical3A_35 = arith.constant 18 : i32
      %shift_right_logical3A_36 = vector.broadcast %shift_right_logical3A_35 : i32 to vector<16xi32>
      %shift_right_logical3A_37 = arith.shrui %mul3A_34, %shift_right_logical3A_36 : vector<16xi32>
      %mul3A_38 = arith.constant 26 : i32
      %mul3A_39 = vector.broadcast %mul3A_38 : i32 to vector<16xi32>
      %mul3A_40 = arith.muli %shift_right_logical3A_37, %mul3A_39 : vector<16xi32>
      %sub3A_41 = arith.subi %add3A_31, %mul3A_40 : vector<16xi32>
      %gather3A_42 = tpu.vector_load_idx %arg4[%sub3A_41, %shift_right_logical3A_37] : memref<26x512xi32, #tpu.memory_space<vmem>>[vector<16xi32>, vector<16xi32>], vector<16xi32>,
      %mul3A_43 = arith.constant 16 : i32
      %mul3A_44 = arith.muli %scan3A_27, %mul3A_43 : i32
      %swap3A_45 = arith.index_cast %mul3A_44 : i32 to index
      %swap3A_46 = tpu.vector_load %arg5[%swap3A_45] {strides = array<i32>} : memref<13312xi32, #tpu.memory_space<vmem>>, vector<16xi32>,
      tpu.vector_store %arg5[%swap3A_45], %gather3A_42 {strides = array<i32>} : memref<13312xi32, #tpu.memory_space<vmem>>, vector<16xi32>,
      %scan3A_47 = arith.constant 2 : i32
      %scan3A_48 = arith.addi %scan3A_10, %scan3A_47 : i32
      %mul3A_49 = arith.constant 16 : i32
      %mul3A_50 = arith.muli %scan3A_48, %mul3A_49 : i32
      %add3A_51 = vector.broadcast %mul3A_50 : i32 to vector<16xi32>
      %add3A_52 = arith.addi %add3A_51, %iota3A : vector<16xi32>
      %mul3A_53 = arith.constant 10083 : i32
      %mul3A_54 = vector.broadcast %mul3A_53 : i32 to vector<16xi32>
      %mul3A_55 = arith.muli %add3A_52, %mul3A_54 : vector<16xi32>
      %shift_right_logical3A_56 = arith.constant 18 : i32
      %shift_right_logical3A_57 = vector.broadcast %shift_right_logical3A_56 : i32 to vector<16xi32>
      %shift_right_logical3A_58 = arith.shrui %mul3A_55, %shift_right_logical3A_57 : vector<16xi32>
      %mul3A_59 = arith.constant 26 : i32
      %mul3A_60 = vector.broadcast %mul3A_59 : i32 to vector<16xi32>
      %mul3A_61 = arith.muli %shift_right_logical3A_58, %mul3A_60 : vector<16xi32>
      %sub3A_62 = arith.subi %add3A_52, %mul3A_61 : vector<16xi32>
      %gather3A_63 = tpu.vector_load_idx %arg4[%sub3A_62, %shift_right_logical3A_58] : memref<26x512xi32, #tpu.memory_space<vmem>>[vector<16xi32>, vector<16xi32>], vector<16xi32>,
      %mul3A_64 = arith.constant 16 : i32
      %mul3A_65 = arith.muli %scan3A_48, %mul3A_64 : i32
      %swap3A_66 = arith.index_cast %mul3A_65 : i32 to index
      %swap3A_67 = tpu.vector_load %arg5[%swap3A_66] {strides = array<i32>} : memref<13312xi32, #tpu.memory_space<vmem>>, vector<16xi32>,
      tpu.vector_store %arg5[%swap3A_66], %gather3A_63 {strides = array<i32>} : memref<13312xi32, #tpu.memory_space<vmem>>, vector<16xi32>,
      %scan3A_68 = arith.constant 3 : i32
      %scan3A_69 = arith.addi %scan3A_10, %scan3A_68 : i32
      %mul3A_70 = arith.constant 16 : i32
      %mul3A_71 = arith.muli %scan3A_69, %mul3A_70 : i32
      %add3A_72 = vector.broadcast %mul3A_71 : i32 to vector<16xi32>
      %add3A_73 = arith.addi %add3A_72, %iota3A : vector<16xi32>
      %mul3A_74 = arith.constant 10083 : i32
      %mul3A_75 = vector.broadcast %mul3A_74 : i32 to vector<16xi32>
      %mul3A_76 = arith.muli %add3A_73, %mul3A_75 : vector<16xi32>
      %shift_right_logical3A_77 = arith.constant 18 : i32
      %shift_right_logical3A_78 = vector.broadcast %shift_right_logical3A_77 : i32 to vector<16xi32>
      %shift_right_logical3A_79 = arith.shrui %mul3A_76, %shift_right_logical3A_78 : vector<16xi32>
      %mul3A_80 = arith.constant 26 : i32
      %mul3A_81 = vector.broadcast %mul3A_80 : i32 to vector<16xi32>
      %mul3A_82 = arith.muli %shift_right_logical3A_79, %mul3A_81 : vector<16xi32>
      %sub3A_83 = arith.subi %add3A_73, %mul3A_82 : vector<16xi32>
      %gather3A_84 = tpu.vector_load_idx %arg4[%sub3A_83, %shift_right_logical3A_79] : memref<26x512xi32, #tpu.memory_space<vmem>>[vector<16xi32>, vector<16xi32>], vector<16xi32>,
      %mul3A_85 = arith.constant 16 : i32
      %mul3A_86 = arith.muli %scan3A_69, %mul3A_85 : i32
      %swap3A_87 = arith.index_cast %mul3A_86 : i32 to index
      %swap3A_88 = tpu.vector_load %arg5[%swap3A_87] {strides = array<i32>} : memref<13312xi32, #tpu.memory_space<vmem>>, vector<16xi32>,
      tpu.vector_store %arg5[%swap3A_87], %gather3A_84 {strides = array<i32>} : memref<13312xi32, #tpu.memory_space<vmem>>, vector<16xi32>,
      %scan3A_89 = arith.constant 4 : i32
      %scan3A_90 = arith.addi %scan3A_10, %scan3A_89 : i32
      %mul3A_91 = arith.constant 16 : i32
      %mul3A_92 = arith.muli %scan3A_90, %mul3A_91 : i32
      %add3A_93 = vector.broadcast %mul3A_92 : i32 to vector<16xi32>
      %add3A_94 = arith.addi %add3A_93, %iota3A : vector<16xi32>
      %mul3A_95 = arith.constant 10083 : i32
      %mul3A_96 = vector.broadcast %mul3A_95 : i32 to vector<16xi32>
      %mul3A_97 = arith.muli %add3A_94, %mul3A_96 : vector<16xi32>
      %shift_right_logical3A_98 = arith.constant 18 : i32
      %shift_right_logical3A_99 = vector.broadcast %shift_right_logical3A_98 : i32 to vector<16xi32>
      %shift_right_logical3A_100 = arith.shrui %mul3A_97, %shift_right_logical3A_99 : vector<16xi32>
      %mul3A_101 = arith.constant 26 : i32
      %mul3A_102 = vector.broadcast %mul3A_101 : i32 to vector<16xi32>
      %mul3A_103 = arith.muli %shift_right_logical3A_100, %mul3A_102 : vector<16xi32>
      %sub3A_104 = arith.subi %add3A_94, %mul3A_103 : vector<16xi32>
      %gather3A_105 = tpu.vector_load_idx %arg4[%sub3A_104, %shift_right_logical3A_100] : memref<26x512xi32, #tpu.memory_space<vmem>>[vector<16xi32>, vector<16xi32>], vector<16xi32>,
      %mul3A_106 = arith.constant 16 : i32
      %mul3A_107 = arith.muli %scan3A_90, %mul3A_106 : i32
      %swap3A_108 = arith.index_cast %mul3A_107 : i32 to index
      %swap3A_109 = tpu.vector_load %arg5[%swap3A_108] {strides = array<i32>} : memref<13312xi32, #tpu.memory_space<vmem>>, vector<16xi32>,
      tpu.vector_store %arg5[%swap3A_108], %gather3A_105 {strides = array<i32>} : memref<13312xi32, #tpu.memory_space<vmem>>, vector<16xi32>,
      %scan3A_110 = arith.constant 5 : i32
      %scan3A_111 = arith.addi %scan3A_10, %scan3A_110 : i32
      %mul3A_112 = arith.constant 16 : i32
      %mul3A_113 = arith.muli %scan3A_111, %mul3A_112 : i32
      %add3A_114 = vector.broadcast %mul3A_113 : i32 to vector<16xi32>
      %add3A_115 = arith.addi %add3A_114, %iota3A : vector<16xi32>
      %mul3A_116 = arith.constant 10083 : i32
      %mul3A_117 = vector.broadcast %mul3A_116 : i32 to vector<16xi32>
      %mul3A_118 = arith.muli %add3A_115, %mul3A_117 : vector<16xi32>
      %shift_right_logical3A_119 = arith.constant 18 : i32
      %shift_right_logical3A_120 = vector.broadcast %shift_right_logical3A_119 : i32 to vector<16xi32>
      %shift_right_logical3A_121 = arith.shrui %mul3A_118, %shift_right_logical3A_120 : vector<16xi32>
      %mul3A_122 = arith.constant 26 : i32
      %mul3A_123 = vector.broadcast %mul3A_122 : i32 to vector<16xi32>
      %mul3A_124 = arith.muli %shift_right_logical3A_121, %mul3A_123 : vector<16xi32>
      %sub3A_125 = arith.subi %add3A_115, %mul3A_124 : vector<16xi32>
      %gather3A_126 = tpu.vector_load_idx %arg4[%sub3A_125, %shift_right_logical3A_121] : memref<26x512xi32, #tpu.memory_space<vmem>>[vector<16xi32>, vector<16xi32>], vector<16xi32>,
      %mul3A_127 = arith.constant 16 : i32
      %mul3A_128 = arith.muli %scan3A_111, %mul3A_127 : i32
      %swap3A_129 = arith.index_cast %mul3A_128 : i32 to index
      %swap3A_130 = tpu.vector_load %arg5[%swap3A_129] {strides = array<i32>} : memref<13312xi32, #tpu.memory_space<vmem>>, vector<16xi32>,
      tpu.vector_store %arg5[%swap3A_129], %gather3A_126 {strides = array<i32>} : memref<13312xi32, #tpu.memory_space<vmem>>, vector<16xi32>,
      %scan3A_131 = arith.constant 6 : i32
      %scan3A_132 = arith.addi %scan3A_10, %scan3A_131 : i32
      %mul3A_133 = arith.constant 16 : i32
      %mul3A_134 = arith.muli %scan3A_132, %mul3A_133 : i32
      %add3A_135 = vector.broadcast %mul3A_134 : i32 to vector<16xi32>
      %add3A_136 = arith.addi %add3A_135, %iota3A : vector<16xi32>
      %mul3A_137 = arith.constant 10083 : i32
      %mul3A_138 = vector.broadcast %mul3A_137 : i32 to vector<16xi32>
      %mul3A_139 = arith.muli %add3A_136, %mul3A_138 : vector<16xi32>
      %shift_right_logical3A_140 = arith.constant 18 : i32
      %shift_right_logical3A_141 = vector.broadcast %shift_right_logical3A_140 : i32 to vector<16xi32>
      %shift_right_logical3A_142 = arith.shrui %mul3A_139, %shift_right_logical3A_141 : vector<16xi32>
      %mul3A_143 = arith.constant 26 : i32
      %mul3A_144 = vector.broadcast %mul3A_143 : i32 to vector<16xi32>
      %mul3A_145 = arith.muli %shift_right_logical3A_142, %mul3A_144 : vector<16xi32>
      %sub3A_146 = arith.subi %add3A_136, %mul3A_145 : vector<16xi32>
      %gather3A_147 = tpu.vector_load_idx %arg4[%sub3A_146, %shift_right_logical3A_142] : memref<26x512xi32, #tpu.memory_space<vmem>>[vector<16xi32>, vector<16xi32>], vector<16xi32>,
      %mul3A_148 = arith.constant 16 : i32
      %mul3A_149 = arith.muli %scan3A_132, %mul3A_148 : i32
      %swap3A_150 = arith.index_cast %mul3A_149 : i32 to index
      %swap3A_151 = tpu.vector_load %arg5[%swap3A_150] {strides = array<i32>} : memref<13312xi32, #tpu.memory_space<vmem>>, vector<16xi32>,
      tpu.vector_store %arg5[%swap3A_150], %gather3A_147 {strides = array<i32>} : memref<13312xi32, #tpu.memory_space<vmem>>, vector<16xi32>,
      %scan3A_152 = arith.constant 7 : i32
      %scan3A_153 = arith.addi %scan3A_10, %scan3A_152 : i32
      %mul3A_154 = arith.constant 16 : i32
      %mul3A_155 = arith.muli %scan3A_153, %mul3A_154 : i32
      %add3A_156 = vector.broadcast %mul3A_155 : i32 to vector<16xi32>
      %add3A_157 = arith.addi %add3A_156, %iota3A : vector<16xi32>
      %mul3A_158 = arith.constant 10083 : i32
      %mul3A_159 = vector.broadcast %mul3A_158 : i32 to vector<16xi32>
      %mul3A_160 = arith.muli %add3A_157, %mul3A_159 : vector<16xi32>
      %shift_right_logical3A_161 = arith.constant 18 : i32
      %shift_right_logical3A_162 = vector.broadcast %shift_right_logical3A_161 : i32 to vector<16xi32>
      %shift_right_logical3A_163 = arith.shrui %mul3A_160, %shift_right_logical3A_162 : vector<16xi32>
      %mul3A_164 = arith.constant 26 : i32
      %mul3A_165 = vector.broadcast %mul3A_164 : i32 to vector<16xi32>
      %mul3A_166 = arith.muli %shift_right_logical3A_163, %mul3A_165 : vector<16xi32>
      %sub3A_167 = arith.subi %add3A_157, %mul3A_166 : vector<16xi32>
      %gather3A_168 = tpu.vector_load_idx %arg4[%sub3A_167, %shift_right_logical3A_163] : memref<26x512xi32, #tpu.memory_space<vmem>>[vector<16xi32>, vector<16xi32>], vector<16xi32>,
      %mul3A_169 = arith.constant 16 : i32
      %mul3A_170 = arith.muli %scan3A_153, %mul3A_169 : i32
      %swap3A_171 = arith.index_cast %mul3A_170 : i32 to index
      %swap3A_172 = tpu.vector_load %arg5[%swap3A_171] {strides = array<i32>} : memref<13312xi32, #tpu.memory_space<vmem>>, vector<16xi32>,
      tpu.vector_store %arg5[%swap3A_171], %gather3A_168 {strides = array<i32>} : memref<13312xi32, #tpu.memory_space<vmem>>, vector<16xi32>,
    }
    %scan3A_7 = arith.constant 832 : i32
    %mul3A_8 = arith.constant 13312 : i32
    %mul3A_9 = arith.muli %add3A, %mul3A_8 : i32
    "tpu.region"() ({
      %run_scoped3A = tpu.sem_alloc : memref<!tpu.dma_semaphore, #tpu.memory_space<semaphore_mem>>
      %dma_start3A = tpu.memref_slice %arg3[%mul3A_9] : memref<425984xi32, #tpu.memory_space<hbm>> -> memref<13312xi32, #tpu.memory_space<hbm>>
      %dma_start3A_10 = tpu.memref_slice %arg3[%mul3A_9] : memref<425984xi32, #tpu.memory_space<hbm>> -> memref<13312xi32, #tpu.memory_space<hbm>>
      tpu.enqueue_dma source(%arg5 : memref<13312xi32, #tpu.memory_space<vmem>>) target(%dma_start3A_10 : memref<13312xi32, #tpu.memory_space<hbm>>) target_semaphore(%run_scoped3A : memref<!tpu.dma_semaphore, #tpu.memory_space<semaphore_mem>>)
      %dma_wait3A = tpu.memref_slice %arg3[%mul3A_9] : memref<425984xi32, #tpu.memory_space<hbm>> -> memref<13312xi32, #tpu.memory_space<hbm>>
      %dma_wait3A_11 = tpu.memref_slice %arg3[%mul3A_9] : memref<425984xi32, #tpu.memory_space<hbm>> -> memref<13312xi32, #tpu.memory_space<hbm>>
      tpu.wait_dma2 semaphore(%run_scoped3A : memref<!tpu.dma_semaphore, #tpu.memory_space<semaphore_mem>>) src(%arg5 : memref<13312xi32, #tpu.memory_space<vmem>>) dst(%dma_wait3A_11 : memref<13312xi32, #tpu.memory_space<hbm>>)
      tpu.yield
    }) : () -> ()
    return
  }
}

#map = affine_map<(d0, d1) -> (0)>
module attributes {stable_mosaic.version = 14 : i64} {
  func.func @_flat_gather_body(%arg0: i32, %arg1: i32, %arg2: memref<1000000xf32, #tpu.memory_space<hbm>>, %arg3: memref<425984xi32, #tpu.memory_space<hbm>>, %arg4: memref<425984xf32, #tpu.memory_space<hbm>>, %arg5: memref<13312xi32, #tpu.memory_space<vmem>>, %arg6: memref<13312xf32, #tpu.memory_space<vmem>>, %arg7: memref<!tpu.dma_semaphore, #tpu.memory_space<semaphore_mem>>) attributes {dimension_semantics = [#tpu.dimension_semantics<core_parallel>, #tpu.dimension_semantics<subcore_parallel>], iteration_bounds = array<i64: 2, 16>, scalar_prefetch = 0 : i64, scratch_operands = 3 : i64, tpu.core_type = #tpu.core_type<sc_vector_subcore>, window_params = [{transform_indices = #map}, {transform_indices = #map}, {transform_indices = #map}]} {
    %mul3A = arith.constant 2 : i32
    %mul3A_0 = arith.muli %arg1, %mul3A : i32
    %add3A = arith.addi %mul3A_0, %arg0 : i32
    %mul3A_1 = arith.constant 13312 : i32
    %mul3A_2 = arith.muli %add3A, %mul3A_1 : i32
    "tpu.region"() ({
      %run_scoped3A = tpu.sem_alloc : memref<!tpu.dma_semaphore, #tpu.memory_space<semaphore_mem>>
      %dma_start3A_5 = tpu.memref_slice %arg3[%mul3A_2] : memref<425984xi32, #tpu.memory_space<hbm>> -> memref<13312xi32, #tpu.memory_space<hbm>>
      %dma_start3A_6 = tpu.memref_slice %arg3[%mul3A_2] : memref<425984xi32, #tpu.memory_space<hbm>> -> memref<13312xi32, #tpu.memory_space<hbm>>
      tpu.enqueue_dma source(%dma_start3A_6 : memref<13312xi32, #tpu.memory_space<hbm>>) target(%arg5 : memref<13312xi32, #tpu.memory_space<vmem>>) target_semaphore(%run_scoped3A : memref<!tpu.dma_semaphore, #tpu.memory_space<semaphore_mem>>)
      %dma_wait3A_7 = tpu.memref_slice %arg3[%mul3A_2] : memref<425984xi32, #tpu.memory_space<hbm>> -> memref<13312xi32, #tpu.memory_space<hbm>>
      %dma_wait3A_8 = tpu.memref_slice %arg3[%mul3A_2] : memref<425984xi32, #tpu.memory_space<hbm>> -> memref<13312xi32, #tpu.memory_space<hbm>>
      tpu.wait_dma2 semaphore(%run_scoped3A : memref<!tpu.dma_semaphore, #tpu.memory_space<semaphore_mem>>) src(%dma_wait3A_8 : memref<13312xi32, #tpu.memory_space<hbm>>) dst(%arg5 : memref<13312xi32, #tpu.memory_space<vmem>>)
      tpu.yield
    }) : () -> ()
    %dma_start3A = arith.constant 0 : i32
    %dma_start3A_3 = tpu.memref_slice %arg2[%dma_start3A] : memref<1000000xf32, #tpu.memory_space<hbm>> -> memref<1000000xf32, #tpu.memory_space<hbm>>
    tpu.enqueue_indirect_dma source(%dma_start3A_3 : memref<1000000xf32, #tpu.memory_space<hbm>>) target(%arg6 : memref<13312xf32, #tpu.memory_space<vmem>>) offsets(%arg5 : memref<13312xi32, #tpu.memory_space<vmem>>) semaphore(%arg7 : memref<!tpu.dma_semaphore, #tpu.memory_space<semaphore_mem>>)
    %dma_wait3A = arith.constant 0 : i32
    %dma_wait3A_4 = tpu.memref_slice %arg2[%dma_wait3A] : memref<1000000xf32, #tpu.memory_space<hbm>> -> memref<1000000xf32, #tpu.memory_space<hbm>>
    tpu.wait_indirect_dma semaphore(%arg7 : memref<!tpu.dma_semaphore, #tpu.memory_space<semaphore_mem>>) src(%dma_wait3A_4 : memref<1000000xf32, #tpu.memory_space<hbm>>) dst(%arg6 : memref<13312xf32, #tpu.memory_space<vmem>>)
    "tpu.region"() ({
      %run_scoped3A = tpu.sem_alloc : memref<!tpu.dma_semaphore, #tpu.memory_space<semaphore_mem>>
      %dma_start3A_5 = tpu.memref_slice %arg4[%mul3A_2] : memref<425984xf32, #tpu.memory_space<hbm>> -> memref<13312xf32, #tpu.memory_space<hbm>>
      %dma_start3A_6 = tpu.memref_slice %arg4[%mul3A_2] : memref<425984xf32, #tpu.memory_space<hbm>> -> memref<13312xf32, #tpu.memory_space<hbm>>
      tpu.enqueue_dma source(%arg6 : memref<13312xf32, #tpu.memory_space<vmem>>) target(%dma_start3A_6 : memref<13312xf32, #tpu.memory_space<hbm>>) target_semaphore(%run_scoped3A : memref<!tpu.dma_semaphore, #tpu.memory_space<semaphore_mem>>)
      %dma_wait3A_7 = tpu.memref_slice %arg4[%mul3A_2] : memref<425984xf32, #tpu.memory_space<hbm>> -> memref<13312xf32, #tpu.memory_space<hbm>>
      %dma_wait3A_8 = tpu.memref_slice %arg4[%mul3A_2] : memref<425984xf32, #tpu.memory_space<hbm>> -> memref<13312xf32, #tpu.memory_space<hbm>>
      tpu.wait_dma2 semaphore(%run_scoped3A : memref<!tpu.dma_semaphore, #tpu.memory_space<semaphore_mem>>) src(%arg6 : memref<13312xf32, #tpu.memory_space<vmem>>) dst(%dma_wait3A_8 : memref<13312xf32, #tpu.memory_space<hbm>>)
      tpu.yield
    }) : () -> ()
    return
  }
}

</mosaic_0001>

<sc_bundles>
// kernel: kernel.4.cloned.1.call-start
scs
__scs_entry_jumppad:
0x0: {  	(pc) =	sbr.rel $0x88, $3  }
0x1: {  	(tag) =	ssettag $0x0;
	lr =	simm.s32 $0x1  }
0x2: {  	[smem:$0x3F9F] =	sst lr;
	_ =	strace $0xD0000000  }
0x3: {  	_ = 	snop  }
0x4: {  	_ = 	snop  }
0x5: {  	_ = 	snop  }
0x6: {  	_ = 	snop  }
0x7: {  	_ = 	snop  }
__scs_overlays_trampoline_lowered:
0x8: {  	[smem:$0x3FAE] =	sst s0  }
0x9: {  	[smem:$0x3FAF] =	sst s1  }
0xa: {  	[smem:$0x3FB0] =	sst s2  }
0xb: {  	[smem:$0x3FB1] =	sst s3  }
0xc: {  	[smem:$0x3FB2] =	sst s4  }
0xd: {  	[smem:$0x3FB3] =	sst s5  }
0xe: {  	[smem:$0x3FB4] =	sst s6  }
0xf: {  	[smem:$0x3FB5] =	sst s7  }
0x10: {  	[smem:$0x3FB6] =	sst s8  }
0x11: {  	[smem:$0x3FB7] =	sst s9;
	s0 =	simm.s32 @!p0 $0x0  }
0x12: {  	s1 =	sld [smem:$0x3F9D];
	s0 =	simm.s32 @p0 $0x1  }
0x13: {  	[smem:$0x3FB8] =	sst s0;
	s0 =	simm.s32 @!p1 $0x0  }
0x14: {  	s2 =	sld [smem:$0x3F9C];
	s0 =	simm.s32 @p1 $0x1  }
0x15: {  	[smem:$0x3FB9] =	sst s0;
	s0 =	simm.s32 @!p2 $0x0  }
0x16: {  	s3 =	sld [smem:$0x3FDB];
	s0 =	simm.s32 @p2 $0x1  }
0x17: {  	s4 =	simm.s32 $0x1BF5;
	[smem:$0x3FBB] =	sst s0  }
0x18: {  	s0 =	sld [smem:$0x3F9E];
	_ =	swait.ge [sflag:s4], $0x0  }
0x19: {  	s7 =	sld [smem:$0x3F9F]  }
0x1a: {  	s8 =	sadd.s32 $0xFFFFE003, lr  }
0x1b: {  	s9 =	sadd.s32 $0xFFFFFEF7, lr;
	s5 =	simm.s32 $0xFFFFFFFF;
	p2 =	slt.u32 s8, $0xFFFFF086  }
0x1c: {  	p1 =	slt.u32 s9, $0xF7A;
	s5 =	simm.s32 @!p2 $0x0  }
0x1d: {  	s5 =	simm.s32 @p1 $0x1;
	p0 =	seq.s32 s7, s2  }
0x1e: {  	s7 =	smul.u32 @!p0 $0xF7A, s2;
	p2 =	seq.s32 @!p0 s5, $0x0  }
0x1f: {  	s9 =	smul.u32 $0xF7A, s1;
	s8 =	simm.s32 @!p0 $0x1BF5;
	p2 =	por !p2, p0  }
0x20: {  	[sflag:s8] =	ssyncset.s32 @!p0 $0xFFFFF086;
	s6 =	sadd.s32 @!p0 s3, s7;
	s7 =	simm.s32 @!p0 $0x108  }
0x21: {  	s3 =	sadd.s32 s3, s9;
	s6 =	sadd.s32 @!p0 $0x88, s6;
	s7 =	simm.s32 @p2 $0x1082  }
0x22: {  	[simem:s7], [sflag:s8] =	dma.local @!p0 [hbm:s6], $0xF7A  }
0x23: {  	s9 =	sor.u32 $0xD0000000, s2;
	s6 =	simm.s32 $0x108;
	_ =	swait.ge @!p0 [sflag:s8], $0x0  }
0x24: {  	s3 =	sadd.s32 $0x88, s3;
	s6 =	simm.s32 @!p1 $0x1082;
	[sflag:s4] =	ssyncset.s32 $0xFFFFF086  }
0x25: {  	[simem:s6], [sflag:s4] =	dma.local [hbm:s3], $0xF7A  }
0x26: {  	[smem:$0x3F9F] =	sst s1;
	(tag) =	ssettag s2;
	_ =	strace s9  }
0x27: {  	s1 =	sld [smem:$0x3FAF]  }
0x28: {  	s2 =	sld [smem:$0x3FB0]  }
0x29: {  	s4 =	sld [smem:$0x3FB2]  }
0x2a: {  	p0 =	seq.s32 s5, $0x0;
	s5 =	sld [smem:$0x3FB3]  }
0x2b: {  	s6 =	sld [smem:$0x3FB4]  }
0x2c: {  	s7 =	sld [smem:$0x3FB5]  }
0x2d: {  	s3 =	simm.s32 $0x108;
	s8 =	sld [smem:$0x3FB6]  }
0x2e: {  	s3 =	simm.s32 @!p0 $0x1082;
	s9 =	sld [smem:$0x3FB7]  }
0x2f: {  	lr =	sadd.s32 s0, s3;
	s0 =	sld [smem:$0x3FAE]  }
0x30: {  	s3 =	sld [smem:$0x3FB1]  }
0x31: {  	[smem:$0x3FBA] =	sst s10  }
0x32: {  	s10 =	sld [smem:$0x3FB8];
	_ =	sdelay $0x3  }
0x33: {  	p0 =	seq.s32 s10, $0x1;
	s10 =	sld [smem:$0x3FBA];
	_ =	sdelay $0x3  }
0x34: {  	[smem:$0x3FBA] =	sst s10  }
0x35: {  	s10 =	sld [smem:$0x3FB9];
	_ =	sdelay $0x3  }
0x36: {  	p1 =	seq.s32 s10, $0x1;
	s10 =	sld [smem:$0x3FBA];
	_ =	sdelay $0x3  }
0x37: {  	[smem:$0x3FBA] =	sst s10  }
0x38: {  	s10 =	sld [smem:$0x3FBB]  }
0x39: {  	_ = 	snop;
	(pc) =	sbr.ind lr, $3  }
0x3a: {  	_ = 	snop  }
0x3b: {  	_ = 	snop  }
0x3c: {  	p2 =	seq.s32 s10, $0x1;
	s10 =	sld [smem:$0x3FBA]  }
0x3d: {  	_ =	shalt  }
0x3e: {  	_ =	shalt  }
0x3f: {  	_ =	shalt  }
0x40: {  	_ =	shalt  }
0x41: {  	_ =	shalt  }
0x42: {  	_ =	shalt  }
0x43: {  	_ =	shalt  }
0x44: {  	_ =	shalt  }
0x45: {  	_ =	shalt  }
0x46: {  	_ =	shalt  }
0x47: {  	_ =	shalt  }
0x48: {  	_ =	shalt  }
0x49: {  	_ =	shalt  }
0x4a: {  	_ =	shalt  }
0x4b: {  	_ =	shalt  }
0x4c: {  	_ =	shalt  }
0x4d: {  	_ =	shalt  }
0x4e: {  	_ =	shalt  }
0x4f: {  	_ =	shalt  }
0x50: {  	_ =	shalt  }
0x51: {  	_ =	shalt  }
0x52: {  	_ =	shalt  }
0x53: {  	_ =	shalt  }
0x54: {  	_ =	shalt  }
0x55: {  	_ =	shalt  }
0x56: {  	_ =	shalt  }
0x57: {  	_ =	shalt  }
0x58: {  	_ =	shalt  }
0x59: {  	_ =	shalt  }
0x5a: {  	_ =	shalt  }
0x5b: {  	_ =	shalt  }
0x5c: {  	_ =	shalt  }
0x5d: {  	_ =	shalt  }
0x5e: {  	_ =	shalt  }
0x5f: {  	_ =	shalt  }
0x60: {  	_ =	shalt  }
0x61: {  	_ =	shalt  }
0x62: {  	_ =	shalt  }
0x63: {  	_ =	shalt  }
0x64: {  	_ =	shalt  }
0x65: {  	_ =	shalt  }
0x66: {  	_ =	shalt  }
0x67: {  	_ =	shalt  }
0x68: {  	_ =	shalt  }
0x69: {  	_ =	shalt  }
0x6a: {  	_ =	shalt  }
0x6b: {  	_ =	shalt  }
0x6c: {  	_ =	shalt  }
0x6d: {  	_ =	shalt  }
0x6e: {  	_ =	shalt  }
0x6f: {  	_ =	shalt  }
0x70: {  	_ =	shalt  }
0x71: {  	_ =	shalt  }
0x72: {  	_ =	shalt  }
0x73: {  	_ =	shalt  }
0x74: {  	_ =	shalt  }
0x75: {  	_ =	shalt  }
0x76: {  	_ =	shalt  }
0x77: {  	_ =	shalt  }
0x78: {  	_ =	shalt  }
0x79: {  	_ =	shalt  }
0x7a: {  	_ =	shalt  }
0x7b: {  	_ =	shalt  }
0x7c: {  	_ =	shalt  }
0x7d: {  	_ =	shalt  }
0x7e: {  	_ =	shalt  }
0x7f: {  	_ =	shalt  }
0x80: {  	_ =	shalt  }
0x81: {  	_ =	shalt  }
0x82: {  	_ =	shalt  }
0x83: {  	_ =	shalt  }
0x84: {  	_ =	shalt  }
0x85: {  	_ =	shalt  }
0x86: {  	_ =	shalt  }
0x87: {  	_ =	shalt  }
.Lfunc_end0:
.L_simem_size_0:
called_computation_lowered:
.L_overlay_start_0:
0x88: {  	s2 =	sld [smem:$0x3FD9]  }
0x89: {  	s3 =	sld [smem:$0x3FFE];
	_ =	sdelay $0x1  }
0x8a: {  	s1 =	srdreg.scid  }
0x8b: {  	s0 =	sand.u32 $0x1, s1  }
0x8c: {  	s17 =	sshll.u32 s0, $0xA;
	s2 =	sadd.s32 s3, s2  }
0x8d: {  	s2 =	sadd.s32 s2, s17  }
0x8e: {  	[smem:$0x3FC6] =	sst s2  }
0x8f: {  	_ = 	snop  }
0x90: {  	s2 =	sld [smem:$0x3FC9];
	(tm) =	ssettm $0x1  }
0x91: {  	s18 =	sld [smem:$0x3FFB];
	_ =	sdelay $0x3  }
0x92: {  	_ =	strace s18  }
0x93: {  	s3 =	sld [smem:$0x3FFC];
	_ =	sdelay $0x3  }
0x94: {  	_ =	strace s3  }
0x95: {  	s3 =	sld [smem:$0x3FFD];
	_ =	sdelay $0x3  }
0x96: {  	_ =	strace s3  }
0x97: {  	_ =	strace $0x8FFFFFFF  }
0x98: {  	s19 =	sld [smem:$0x3FDB];
	_ =	sdelay $0x1  }
0x99: {  	s4 =	simm.s32 $_scs_section_size  }
0x9a: {  	s5 =	simm.s32 $_size__tile_overlayer_lowered;
	s6 =	simm.s32 $_tile_overlayer_lowered  }
0x9b: {  	s22 =	simm.s32 $0x1BFF;
	s21 =	sshll.u32 s6, $0x1;
	s3 =	sadd.s32 s4, s19  }
0x9c: {  	s7 =	simm.s32 $0x0;
	s20 =	sshll.u32 s5, $0x1;
	s5 =	sadd.s32 s21, s3  }
0x9d: {  	[timem:s7], [sflag:s22] =	dma.local [hbm:s5], s20  }
0x9e: {  	_ =	swait.ge [sflag:s22], s20  }
0x9f: {  	s4 =	ssub.s32 $0x0, s20;
	[sflag:s22] =	ssyncset.done $0x0  }
0xa0: {  	[sflag:s22] =	ssyncadd.s32 s4;
	_ =	sdelay $0x1  }
0xa1: {  	s23 =	simm.s32 $0x1B8B  }
0xa2: {  	_ =	swait.ge [sflag:s23], $0x1  }
0xa3: {  	[sflag:s23] =	ssyncset.done $0x0  }
0xa4: {  	s25 =	simm.s32 $0x1B8E;
	s24 =	sld [smem:$0x3FFE];
	[sflag:s23] =	ssyncadd.s32 $0xFFFFFFFF  }
0xa5: {  	s26 =	simm.s32 $execute0_lowered;
	[smem:$0x3FD2] =	sst s25  }
0xa6: {  	s5 =	sshll.u32 s26, $0x1;
	_ =	strace $0x80000046;
	[dreg:$0x1] =	wrdreg $0xFFFFFFFF  }
0xa7: {  	s28 =	simm.s32 $_size_execute0_lowered;
	s3 =	sadd.s32 s3, s5;
	[dreg:$0x0] =	wrdreg $0x0  }
0xa8: {  	s5 =	sshll.u32 s28, $0x1;
	[dreg:$0x2] =	wrdreg s3  }
0xa9: {  	[dreg:$0x3] =	wrdreg s5  }
0xaa: {  	[dreg:$0x4] =	wrdreg $0xC0  }
0xab: {  	_ =	task [dreg:s7], $0x5FFFF  }
0xac: {  	[dreg:$0x1] =	wrdreg $0xFFFFFFFF  }
0xad: {  	[dreg:$0x0] =	wrdreg $0x60  }
0xae: {  	[dreg:$0x2] =	wrdreg s2  }
0xaf: {  	[dreg:$0x3] =	wrdreg s24  }
0xb0: {  	[dreg:$0x4] =	wrdreg $0x9  }
0xb1: {  	_ =	task.clear_ibuf [dreg:s7], $0x5FFFF;
	_ =	strace $0x90000046  }
0xb2: {  	s29 =	simm.s32 $0x9;
	_ =	strace $0x80000048  }
0xb3: {  	_ =	swait.ge [sflag:s29], $0x1  }
0xb4: {  	[sflag:s29] =	ssyncadd.s32 $0xFFFFFFFF  }
0xb5: {  	_ =	strace $0x90000048  }
0xb6: {  	_ =	sfence  }
0xb7: {  	s30 =	sld [smem:$0x0];
	_ =	sdelay $0x2  }
0xb8: {  	s31 =	sshll.u32 s1, $0xD;
	s1 =	sshrl.u32 s1, $0x2  }
0xb9: {  	s3 =	sand.u32 $0x4000, s31;
	s1 =	sadd.s32 s1, s30  }
0xba: {  	s0 =	sor.u32 s3, s0;
	s1 =	sshll.u32 s1, $0x11  }
0xbb: {  	s0 =	sor.u32 s1, s0  }
0xbc: {  	s0 =	sadd.s32 $0x8F2B, s0  }
0xbd: {  	[sflag:s0] =	ssyncadd.remote.s32 $0x1  }
0xbe: {  	_ =	sfence.sel $0xFFFF  }
0xbf: {  	[dreg:$0x0] =	wrdreg $0xFFFFFFFF;
	(pc) =	sbr.abs _section_cstart, $3  }
0xc0: {  	[dreg:$0x1] =	wrdreg $0xFFFFFFFF  }
0xc1: {  	_ =	task.clear_ibuf [dreg:s7], $0x2FFFF;
	_ =	strace $0x9FFFFFFF  }
0xc2: {  	(tm) =	ssettm $0x7FFFFFFF  }
0xc3: {  	_ =	shalt  }
tec
execute0_lowered:
.L_overlay_start_1:
0x0: {  	(tag) =	ssettag $0x1  }
0x1: {  	s3 =	rddreg [dreg:$0x0];
	s1 =	srdreg.scid  }
0x2: {  	s0 =	stileid.u32;
	s4 =	rddreg [dreg:$0x1]  }
0x3: {  	s2 =	simm.s32 $0x0;
	s8 =	simm.s32 $0x1;
	s9 =	simm.s32 $0x4000  }
0x4: {  	s10 =	simm.s32 $0x0;
	s5 =	sand.u32 $0x1, s1;
	s6 =	sshll.u32 s0, $0x1  }
0x5: {  	s1 =	rddreg [dreg:$0x2];
	s6 =	sor.u32 s5, s6;
	s5 =	ssub.s32 $0x2, s5  }
0x6: {  	[smem:$0x7FF] =	sst s2;
	s7 =	smul.u32 $0x680, s6;
	s31 =	sshrl.u32 s5, $0x1  }
0x7: {  	_ =	strace $0x80000047;
	s6 =	sshll.u32 s6, $0x9;
	s5 =	ssub.s32 s5, s31  }
0x8: {  	s3 =	sadd.s32 s3, s6;
	s6 =	simm.s32 $0x1000;
	s4 =	sadd.s32 s7, s4  }
0x9: {  	v0 =	vlaneseq.u32;
	s5 =	smax.u32 s5, $0x1;
	s7 =	simm.s32 $0x20000;
	s4 =	sadd.s32 $0x600, s4  }
.LBB2_1:
0xa: {  	s11 =	simm.s32 $0x0  }
0xb: {  	v1 =	vor.u32 s11, v0  }
0xc: {  	v2 =	vmul.u32 $0x2763, v1;
	_ =	sdelay $0x1  }
0xd: {  	v3 =	vshrl.u32 v2, $0x12  }
0xe: {  	v4 =	vmul.u32 $0xFFFFFFE6, v3  }
0xf: {  	s25 =	simm.s32 $0x10  }
0x10: {  	v1 =	vadd.s32 v1, v4;
	v4 =	vor.u32 s25, v0  }
0x11: {  	v2 =	vshrl.u32 v2, $0xF;
	v5 =	vshll.u32 v1, $0x9;
	v6 =	vmul.u32 $0x2763, v4  }
0x12: {  	v2 =	vand.u32 $0xFC00, v2;
	v1 =	vshll.u32 v1, $0x7;
	v5 =	vand.u32 $0xFFFFF000, v5  }
0x13: {  	v1 =	vand.u32 $0x380, v1;
	v7 =	vshrl.u32 v6, $0x12;
	v2 =	vadd.s32 v2, v5  }
0x14: {  	v3 =	vand.u32 $0x7F, v3;
	v5 =	vmul.u32 $0xFFFFFFE6, v7;
	v1 =	vor.u32 v1, v2  }
0x15: {  	s26 =	simm.s32 $0x20;
	v1 =	vor.u32 v3, v1  }
0x16: {  	[tilespmem:s2], [sflag:$0x1] =	stream.strided.gather [hbm4b:s3+s6], $0x4000, s7, s6, $0x38;
	v3 =	vor.u32 s26, v0;
	v2 =	vadd.s32 v4, v5;
	[tilespmem:$0x7400] =	vst v63  }
0x17: {  	_ =	swait.ge [sflag:s8], $0x4000;
	v6 =	vshrl.u32 v6, $0xF;
	v5 =	vmul.u32 $0x2763, v3;
	v4 =	vshll.u32 v2, $0x9  }
0x18: {  	[sflag:s8] =	ssyncset.done $0x0;
	v6 =	vand.u32 $0xFC00, v6;
	v2 =	vshll.u32 v2, $0x7;
	v4 =	vand.u32 $0xFFFFF000, v4  }
0x19: {  	[sflag:s8] =	ssyncadd.s32 $0xFFFFC000;
	v8 =	vshrl.u32 v5, $0x12;
	v2 =	vand.u32 $0x380, v2;
	v4 =	vadd.s32 v6, v4  }
0x1a: {  	v7 =	vand.u32 $0x7F, v7;
	v6 =	vmul.u32 $0xFFFFFFE6, v8;
	v1 =	vld.idx.msk [tilespmem:v1+s2+$0x0], $0xffff;
	v2 =	vor.u32 v2, v4  }
0x1b: {  	s28 =	simm.s32 $0x30;
	v2 =	vor.u32 v7, v2  }
0x1c: {  	v4 =	vor.u32 s28, v0;
	v3 =	vadd.s32 v3, v6  }
0x1d: {  	v5 =	vshrl.u32 v5, $0xF;
	v7 =	vmul.u32 $0x2763, v4;
	v6 =	vshll.u32 v3, $0x9  }
0x1e: {  	s11 =	simm.s32 $0x4040;
	v5 =	vand.u32 $0xFC00, v5;
	v3 =	vshll.u32 v3, $0x7;
	v6 =	vand.u32 $0xFFFFF000, v6  }
0x1f: {  	v9 =	vshrl.u32 v7, $0x12;
	v3 =	vand.u32 $0x380, v3;
	[tilespmem:s11+$0xFFFFFFC0] =	vst v1;
	v1 =	vadd.s32 v5, v6  }
0x20: {  	v5 =	vmul.u32 $0xFFFFFFE6, v9;
	v6 =	vand.u32 $0x7F, v8;
	v2 =	vld.idx.msk [tilespmem:v2+s2+$0x0], $0xffff;
	v1 =	vor.u32 v3, v1  }
0x21: {  	s12 =	simm.s32 $0x40;
	v1 =	vor.u32 v6, v1  }
0x22: {  	v3 =	vadd.s32 v4, v5;
	v4 =	vor.u32 s12, v0  }
0x23: {  	v7 =	vshrl.u32 v7, $0xF;
	v5 =	vshll.u32 v3, $0x9;
	v6 =	vmul.u32 $0x2763, v4  }
0x24: {  	v7 =	vand.u32 $0xFC00, v7;
	v3 =	vshll.u32 v3, $0x7;
	v5 =	vand.u32 $0xFFFFF000, v5  }
0x25: {  	v3 =	vand.u32 $0x380, v3;
	v8 =	vshrl.u32 v6, $0x12;
	[tilespmem:s11+$0xFFFFFFD0] =	vst v2;
	v2 =	vadd.s32 v7, v5  }
0x26: {  	v5 =	vmul.u32 $0xFFFFFFE6, v8;
	v7 =	vand.u32 $0x7F, v9;
	v1 =	vld.idx.msk [tilespmem:v1+s2+$0x0], $0xffff;
	v2 =	vor.u32 v3, v2  }
0x27: {  	s29 =	simm.s32 $0x50;
	v2 =	vor.u32 v7, v2  }
0x28: {  	v3 =	vadd.s32 v4, v5;
	v4 =	vor.u32 s29, v0  }
0x29: {  	v6 =	vshrl.u32 v6, $0xF;
	v5 =	vshll.u32 v3, $0x9;
	v7 =	vmul.u32 $0x2763, v4  }
0x2a: {  	v6 =	vand.u32 $0xFC00, v6;
	v3 =	vshll.u32 v3, $0x7;
	v5 =	vand.u32 $0xFFFFF000, v5  }
0x2b: {  	v3 =	vand.u32 $0x380, v3;
	v63 =	vshrl.u32 v7, $0x12;
	[tilespmem:s11+$0xFFFFFFE0] =	vst v1;
	v1 =	vadd.s32 v6, v5  }
0x2c: {  	v5 =	vmul.u32 $0xFFFFFFE6, v63;
	v6 =	vand.u32 $0x7F, v8;
	v2 =	vld.idx.msk [tilespmem:v2+s2+$0x0], $0xffff;
	v1 =	vor.u32 v3, v1  }
0x2d: {  	s30 =	simm.s32 $0x60;
	v1 =	vor.u32 v6, v1  }
0x2e: {  	v3 =	vadd.s32 v4, v5;
	v4 =	vor.u32 s30, v0  }
0x2f: {  	v7 =	vshrl.u32 v7, $0xF;
	v5 =	vshll.u32 v3, $0x9;
	v6 =	vmul.u32 $0x2763, v4  }
0x30: {  	v7 =	vand.u32 $0xFC00, v7;
	v3 =	vshll.u32 v3, $0x7;
	v5 =	vand.u32 $0xFFFFF000, v5  }
0x31: {  	v3 =	vand.u32 $0x380, v3;
	v8 =	vshrl.u32 v6, $0x12;
	[tilespmem:s11+$0xFFFFFFF0] =	vst v2;
	v2 =	vadd.s32 v7, v5  }
0x32: {  	v5 =	vmul.u32 $0xFFFFFFE6, v8;
	v7 =	vld.idx.msk [tilespmem:v1+s2+$0x0], $0xffff;
	v1 =	vand.u32 $0x7F, v63;
	v2 =	vor.u32 v3, v2  }
0x33: {  	s31 =	simm.s32 $0x70;
	v9 =	vor.u32 v1, v2  }
0x34: {  	v3 =	vadd.s32 v4, v5;
	v1 =	vor.u32 s31, v0  }
0x35: {  	v5 =	vshrl.u32 v6, $0xF;
	v4 =	vshll.u32 v3, $0x9;
	v2 =	vmul.u32 $0x2763, v1  }
0x36: {  	v5 =	vand.u32 $0xFC00, v5;
	v3 =	vshll.u32 v3, $0x7;
	v4 =	vand.u32 $0xFFFFF000, v4  }
0x37: {  	v3 =	vand.u32 $0x380, v3;
	v4 =	vadd.s32 v5, v4;
	[tilespmem:s11+$0x0] =	vst v7  }
0x38: {  	v5 =	vand.u32 $0x7F, v8;
	v6 =	vor.u32 v3, v4;
	v3 =	vshrl.u32 v2, $0x12;
	v4 =	vld.idx.msk [tilespmem:v9+s2+$0x0], $0xffff  }
0x39: {  	s13 =	simm.s32 $0xF0;
	s12 =	simm.s32 $0x0;
	v5 =	vor.u32 v5, v6;
	v6 =	vmul.u32 $0xFFFFFFE6, v3  }
.LBB2_2:
0x3a: {  	s14 =	sadd.s32 $0xFFFFFF90, s13  }
0x3b: {  	s12 =	sadd.s32 $0x8, s12;
	v7 =	vor.u32 s14, v0;
	v1 =	vadd.s32 v1, v6  }
0x3c: {  	v2 =	vshrl.u32 v2, $0xF;
	p0 =	slt.u32 s12, $0x338;
	v6 =	vmul.u32 $0x2763, v7;
	v8 =	vshll.u32 v1, $0x9  }
0x3d: {  	v2 =	vand.u32 $0xFC00, v2;
	v1 =	vshll.u32 v1, $0x7;
	[tilespmem:s11+$0x10] =	vst v4;
	v4 =	vand.u32 $0xFFFFF000, v8  }
0x3e: {  	v1 =	vand.u32 $0x380, v1;
	v5 =	vld.idx.msk [tilespmem:v5+s2+$0x0], $0xffff;
	v2 =	vadd.s32 v2, v4  }
0x3f: {  	v3 =	vand.u32 $0x7F, v3;
	v4 =	vshrl.u32 v6, $0x12;
	v1 =	vor.u32 v1, v2  }
0x40: {  	v2 =	vmul.u32 $0xFFFFFFE6, v4;
	v1 =	vor.u32 v3, v1  }
0x41: {  	s14 =	sadd.s32 $0xFFFFFFA0, s13  }
0x42: {  	v3 =	vor.u32 s14, v0;
	v2 =	vadd.s32 v7, v2  }
0x43: {  	v6 =	vshrl.u32 v6, $0xF;
	v8 =	vmul.u32 $0x2763, v3;
	v7 =	vshll.u32 v2, $0x9  }
0x44: {  	v6 =	vand.u32 $0xFC00, v6;
	v2 =	vshll.u32 v2, $0x7;
	v7 =	vand.u32 $0xFFFFF000, v7;
	[tilespmem:s11+$0x20] =	vst v5  }
0x45: {  	v2 =	vand.u32 $0x380, v2;
	v5 =	vadd.s32 v6, v7;
	v1 =	vld.idx.msk [tilespmem:v1+s2+$0x0], $0xffff  }
0x46: {  	v4 =	vand.u32 $0x7F, v4;
	v2 =	vor.u32 v2, v5;
	v5 =	vshrl.u32 v8, $0x12  }
0x47: {  	v2 =	vor.u32 v4, v2;
	v4 =	vmul.u32 $0xFFFFFFE6, v5  }
0x48: {  	s14 =	sadd.s32 $0xFFFFFFB0, s13  }
0x49: {  	v3 =	vadd.s32 v3, v4;
	v4 =	vor.u32 s14, v0  }
0x4a: {  	v7 =	vshrl.u32 v8, $0xF;
	v6 =	vshll.u32 v3, $0x9;
	v8 =	vmul.u32 $0x2763, v4  }
0x4b: {  	v7 =	vand.u32 $0xFC00, v7;
	v3 =	vshll.u32 v3, $0x7;
	v6 =	vand.u32 $0xFFFFF000, v6;
	[tilespmem:s11+$0x30] =	vst v1  }
0x4c: {  	v3 =	vand.u32 $0x380, v3;
	v1 =	vld.idx.msk [tilespmem:v2+s2+$0x0], $0xffff;
	v2 =	vadd.s32 v7, v6  }
0x4d: {  	v5 =	vand.u32 $0x7F, v5;
	v2 =	vor.u32 v3, v2;
	v3 =	vshrl.u32 v8, $0x12  }
0x4e: {  	v2 =	vor.u32 v5, v2;
	v5 =	vmul.u32 $0xFFFFFFE6, v3  }
0x4f: {  	s14 =	sadd.s32 $0xFFFFFFC0, s13  }
0x50: {  	v4 =	vadd.s32 v4, v5;
	v5 =	vor.u32 s14, v0  }
0x51: {  	s11 =	sadd.s32 $0x80, s11;
	v7 =	vshrl.u32 v8, $0xF;
	v6 =	vshll.u32 v4, $0x9;
	v8 =	vmul.u32 $0x2763, v5  }
0x52: {  	v4 =	vshll.u32 v4, $0x7;
	[tilespmem:s11+$0xFFFFFFC0] =	vst v1;
	v1 =	vand.u32 $0xFFFFF000, v6;
	v6 =	vand.u32 $0xFC00, v7  }
0x53: {  	v4 =	vand.u32 $0x380, v4;
	v2 =	vld.idx.msk [tilespmem:v2+s2+$0x0], $0xffff;
	v1 =	vadd.s32 v6, v1  }
0x54: {  	v3 =	vand.u32 $0x7F, v3;
	v1 =	vor.u32 v4, v1;
	v4 =	vshrl.u32 v8, $0x12  }
0x55: {  	v1 =	vor.u32 v3, v1;
	v3 =	vmul.u32 $0xFFFFFFE6, v4  }
0x56: {  	s14 =	sadd.s32 $0xFFFFFFD0, s13  }
0x57: {  	v3 =	vadd.s32 v5, v3;
	v5 =	vor.u32 s14, v0  }
0x58: {  	v7 =	vshrl.u32 v8, $0xF;
	v6 =	vshll.u32 v3, $0x9;
	v8 =	vmul.u32 $0x2763, v5  }
0x59: {  	v3 =	vshll.u32 v3, $0x7;
	[tilespmem:s11+$0xFFFFFFD0] =	vst v2;
	v2 =	vand.u32 $0xFFFFF000, v6;
	v6 =	vand.u32 $0xFC00, v7  }
0x5a: {  	v3 =	vand.u32 $0x380, v3;
	v1 =	vld.idx.msk [tilespmem:v1+s2+$0x0], $0xffff;
	v2 =	vadd.s32 v6, v2  }
0x5b: {  	v4 =	vand.u32 $0x7F, v4;
	v2 =	vor.u32 v3, v2;
	v3 =	vshrl.u32 v8, $0x12  }
0x5c: {  	v2 =	vor.u32 v4, v2;
	v4 =	vmul.u32 $0xFFFFFFE6, v3  }
0x5d: {  	s14 =	sadd.s32 $0xFFFFFFE0, s13  }
0x5e: {  	v4 =	vadd.s32 v5, v4;
	v5 =	vor.u32 s14, v0  }
0x5f: {  	v7 =	vshrl.u32 v8, $0xF;
	v6 =	vshll.u32 v4, $0x9;
	v8 =	vmul.u32 $0x2763, v5  }
0x60: {  	v4 =	vshll.u32 v4, $0x7;
	[tilespmem:s11+$0xFFFFFFE0] =	vst v1;
	v1 =	vand.u32 $0xFFFFF000, v6;
	v6 =	vand.u32 $0xFC00, v7  }
0x61: {  	v4 =	vand.u32 $0x380, v4;
	v2 =	vld.idx.msk [tilespmem:v2+s2+$0x0], $0xffff;
	v1 =	vadd.s32 v6, v1  }
0x62: {  	v3 =	vand.u32 $0x7F, v3;
	v1 =	vor.u32 v4, v1;
	v4 =	vshrl.u32 v8, $0x12  }
0x63: {  	v1 =	vor.u32 v3, v1;
	v3 =	vmul.u32 $0xFFFFFFE6, v4  }
0x64: {  	s14 =	sadd.s32 $0xFFFFFFF0, s13  }
0x65: {  	v3 =	vadd.s32 v5, v3;
	v5 =	vor.u32 s14, v0  }
0x66: {  	v7 =	vshrl.u32 v8, $0xF;
	v6 =	vshll.u32 v3, $0x9;
	v8 =	vmul.u32 $0x2763, v5  }
0x67: {  	v3 =	vshll.u32 v3, $0x7;
	[tilespmem:s11+$0xFFFFFFF0] =	vst v2;
	v2 =	vand.u32 $0xFFFFF000, v6;
	v6 =	vand.u32 $0xFC00, v7  }
0x68: {  	v7 =	vld.idx.msk [tilespmem:v1+s2+$0x0], $0xffff;
	v1 =	vadd.s32 v6, v2;
	v2 =	vand.u32 $0x380, v3  }
0x69: {  	v3 =	vand.u32 $0x7F, v4;
	v6 =	vshrl.u32 v8, $0x12;
	v1 =	vor.u32 v2, v1  }
0x6a: {  	v3 =	vor.u32 v3, v1;
	v1 =	vmul.u32 $0xFFFFFFE6, v6;
	_ =	sdelay $0x1  }
0x6b: {  	v4 =	vadd.s32 v5, v1;
	v1 =	vor.u32 s13, v0  }
.Ltmp0:
0x6c: {  	v8 =	vshrl.u32 v8, $0xF;
	v5 =	vshll.u32 v4, $0x9;
	v2 =	vmul.u32 $0x2763, v1;
	(pc) =	sbr.rel @p0 .LBB2_2-.Ltmp0, $4  }
0x6d: {  	[tilespmem:s11+$0x0] =	vst v7;
	v5 =	vand.u32 $0xFFFFF000, v5;
	v7 =	vand.u32 $0xFC00, v8;
	v8 =	vshll.u32 v4, $0x7  }
0x6e: {  	v4 =	vld.idx.msk [tilespmem:v3+s2+$0x0], $0xffff;
	v3 =	vadd.s32 v7, v5;
	v5 =	vand.u32 $0x380, v8  }
0x6f: {  	v6 =	vand.u32 $0x7F, v6;
	v5 =	vor.u32 v5, v3;
	v3 =	vshrl.u32 v2, $0x12  }
0x70: {  	s13 =	sadd.s32 $0x80, s13;
	v5 =	vor.u32 v6, v5;
	v6 =	vmul.u32 $0xFFFFFFE6, v3  }
0x71: {  	_ = 	snop  }
0x72: {  	v1 =	vadd.s32 v1, v6  }
0x73: {  	v2 =	vshrl.u32 v2, $0xF;
	v6 =	vshll.u32 v1, $0x9  }
0x74: {  	v2 =	vand.u32 $0xFC00, v2;
	v1 =	vshll.u32 v1, $0x7;
	v6 =	vand.u32 $0xFFFFF000, v6  }
0x75: {  	[tilespmem:s11+$0x10] =	vst v4;
	v1 =	vand.u32 $0x380, v1;
	v2 =	vadd.s32 v2, v6  }
0x76: {  	v3 =	vand.u32 $0x7F, v3;
	v4 =	vld.idx.msk [tilespmem:v5+s2+$0x0], $0xffff;
	v1 =	vor.u32 v1, v2  }
0x77: {  	v1 =	vor.u32 v3, v1;
	_ =	sdelay $0x3  }
0x78: {  	[tilespmem:s11+$0x20] =	vst v4  }
0x79: {  	v1 =	vld.idx.msk [tilespmem:v1+s2+$0x0], $0xffff;
	_ =	sdelay $0x2  }
0x7a: {  	s10 =	sadd.s32 $0x1, s10  }
0x7b: {  	p0 =	sne.s32 s10, s5  }
.Ltmp1:
0x7c: {  	[tilespmem:s11+$0x30] =	vst v1;
	(pc) =	sbr.rel @p0 .LBB2_1-.Ltmp1, $4  }
0x7d: {  	[hbm4b:s4+s2] =	stream.linear.scatter [tilespmem:s9], [sflag:$0x1], $0x3400, $0x38;
	[tilespmem:$0x7400] =	vst v63  }
0x7e: {  	_ =	swait.ge [sflag:s8], $0x3400  }
0x7f: {  	[sflag:s8] =	ssyncset.done $0x0  }
0x80: {  	[sflag:s8] =	ssyncadd.s32 $0xFFFFCC00  }
0x81: {  	_ =	sfence.sel $0x180000  }
0x82: {  	[bflag:$0x0] =	sbarrier.arrive $0xFFFF  }
0x83: {  	p0 =	sne.s32 s0, $0x0;
	_ =	strace $0x90000047  }
0x84: {  	s0 =	sadd.s32 @!p0 $0x100000, s1;
	[bflag:$0x2] =	sbarrier.arrive $0xFFFF  }
0x85: {  	[sflag:s0] =	ssyncadd.tile.s32 @!p0 $0x1;
	_ =	shalt  }
.Lfunc_end2:
_tile_overlayer_lowered:
.L_overlay_start_2:
0x86: {  	(tag) =	ssettag $0x2  }
0x87: {  	s0 =	rddreg [dreg:$0x0];
	s2 =	stileid.u32  }
0x88: {  	s1 =	rddreg [dreg:$0x1];
	p0 =	sne.s32 s2, $0x0  }
0x89: {  	s3 =	rddreg [dreg:$0x2];
	[bflag:$0x3] =	sbarrier.arrive $0xFFFF;
	s2 =	simm.s32 @!p0 $0x1C01  }
0x8a: {  	[timem:s3], [sflag:s2] =	dma.local @!p0 [hbm:s0], s1  }
0x8b: {  	s0 =	simm.s32 @!p0 $0x1  }
0x8c: {  	_ =	swait.ge @!p0 [sflag:s0], s1  }
0x8d: {  	s1 =	ssub.s32 @!p0 $0x0, s1;
	[sflag:s0] =	ssyncset.done @!p0 $0x0  }
0x8e: {  	[sflag:s0] =	ssyncadd.s32 @!p0 s1  }
0x8f: {  	[bflag:$0x3] =	sbarrier.arrive $0xFFFF  }
0x90: {  	_ =	shalt  }

// kernel: kernel.7.cloned.1.call-start
scs
__scs_entry_jumppad:
0x0: {  	(pc) =	sbr.rel $0x88, $3  }
0x1: {  	(tag) =	ssettag $0x0;
	lr =	simm.s32 $0x1  }
0x2: {  	[smem:$0x3F9F] =	sst lr;
	_ =	strace $0xD0000000  }
0x3: {  	_ = 	snop  }
0x4: {  	_ = 	snop  }
0x5: {  	_ = 	snop  }
0x6: {  	_ = 	snop  }
0x7: {  	_ = 	snop  }
__scs_overlays_trampoline_lowered:
0x8: {  	[smem:$0x3FAE] =	sst s0  }
0x9: {  	[smem:$0x3FAF] =	sst s1  }
0xa: {  	[smem:$0x3FB0] =	sst s2  }
0xb: {  	[smem:$0x3FB1] =	sst s3  }
0xc: {  	[smem:$0x3FB2] =	sst s4  }
0xd: {  	[smem:$0x3FB3] =	sst s5  }
0xe: {  	[smem:$0x3FB4] =	sst s6  }
0xf: {  	[smem:$0x3FB5] =	sst s7  }
0x10: {  	[smem:$0x3FB6] =	sst s8  }
0x11: {  	[smem:$0x3FB7] =	sst s9;
	s0 =	simm.s32 @!p0 $0x0  }
0x12: {  	s1 =	sld [smem:$0x3F9D];
	s0 =	simm.s32 @p0 $0x1  }
0x13: {  	[smem:$0x3FB8] =	sst s0;
	s0 =	simm.s32 @!p1 $0x0  }
0x14: {  	s2 =	sld [smem:$0x3F9C];
	s0 =	simm.s32 @p1 $0x1  }
0x15: {  	[smem:$0x3FB9] =	sst s0;
	s0 =	simm.s32 @!p2 $0x0  }
0x16: {  	s3 =	sld [smem:$0x3FDB];
	s0 =	simm.s32 @p2 $0x1  }
0x17: {  	s4 =	simm.s32 $0x1BF5;
	[smem:$0x3FBB] =	sst s0  }
0x18: {  	s0 =	sld [smem:$0x3F9E];
	_ =	swait.ge [sflag:s4], $0x0  }
0x19: {  	s7 =	sld [smem:$0x3F9F]  }
0x1a: {  	s8 =	sadd.s32 $0xFFFFE003, lr  }
0x1b: {  	s9 =	sadd.s32 $0xFFFFFEF7, lr;
	s5 =	simm.s32 $0xFFFFFFFF;
	p2 =	slt.u32 s8, $0xFFFFF086  }
0x1c: {  	p1 =	slt.u32 s9, $0xF7A;
	s5 =	simm.s32 @!p2 $0x0  }
0x1d: {  	s5 =	simm.s32 @p1 $0x1;
	p0 =	seq.s32 s7, s2  }
0x1e: {  	s7 =	smul.u32 @!p0 $0xF7A, s2;
	p2 =	seq.s32 @!p0 s5, $0x0  }
0x1f: {  	s9 =	smul.u32 $0xF7A, s1;
	s8 =	simm.s32 @!p0 $0x1BF5;
	p2 =	por !p2, p0  }
0x20: {  	[sflag:s8] =	ssyncset.s32 @!p0 $0xFFFFF086;
	s6 =	sadd.s32 @!p0 s3, s7;
	s7 =	simm.s32 @!p0 $0x108  }
0x21: {  	s3 =	sadd.s32 s3, s9;
	s6 =	sadd.s32 @!p0 $0x88, s6;
	s7 =	simm.s32 @p2 $0x1082  }
0x22: {  	[simem:s7], [sflag:s8] =	dma.local @!p0 [hbm:s6], $0xF7A  }
0x23: {  	s9 =	sor.u32 $0xD0000000, s2;
	s6 =	simm.s32 $0x108;
	_ =	swait.ge @!p0 [sflag:s8], $0x0  }
0x24: {  	s3 =	sadd.s32 $0x88, s3;
	s6 =	simm.s32 @!p1 $0x1082;
	[sflag:s4] =	ssyncset.s32 $0xFFFFF086  }
0x25: {  	[simem:s6], [sflag:s4] =	dma.local [hbm:s3], $0xF7A  }
0x26: {  	[smem:$0x3F9F] =	sst s1;
	(tag) =	ssettag s2;
	_ =	strace s9  }
0x27: {  	s1 =	sld [smem:$0x3FAF]  }
0x28: {  	s2 =	sld [smem:$0x3FB0]  }
0x29: {  	s4 =	sld [smem:$0x3FB2]  }
0x2a: {  	p0 =	seq.s32 s5, $0x0;
	s5 =	sld [smem:$0x3FB3]  }
0x2b: {  	s6 =	sld [smem:$0x3FB4]  }
0x2c: {  	s7 =	sld [smem:$0x3FB5]  }
0x2d: {  	s3 =	simm.s32 $0x108;
	s8 =	sld [smem:$0x3FB6]  }
0x2e: {  	s3 =	simm.s32 @!p0 $0x1082;
	s9 =	sld [smem:$0x3FB7]  }
0x2f: {  	lr =	sadd.s32 s0, s3;
	s0 =	sld [smem:$0x3FAE]  }
0x30: {  	s3 =	sld [smem:$0x3FB1]  }
0x31: {  	[smem:$0x3FBA] =	sst s10  }
0x32: {  	s10 =	sld [smem:$0x3FB8];
	_ =	sdelay $0x3  }
0x33: {  	p0 =	seq.s32 s10, $0x1;
	s10 =	sld [smem:$0x3FBA];
	_ =	sdelay $0x3  }
0x34: {  	[smem:$0x3FBA] =	sst s10  }
0x35: {  	s10 =	sld [smem:$0x3FB9];
	_ =	sdelay $0x3  }
0x36: {  	p1 =	seq.s32 s10, $0x1;
	s10 =	sld [smem:$0x3FBA];
	_ =	sdelay $0x3  }
0x37: {  	[smem:$0x3FBA] =	sst s10  }
0x38: {  	s10 =	sld [smem:$0x3FBB]  }
0x39: {  	_ = 	snop;
	(pc) =	sbr.ind lr, $3  }
0x3a: {  	_ = 	snop  }
0x3b: {  	_ = 	snop  }
0x3c: {  	p2 =	seq.s32 s10, $0x1;
	s10 =	sld [smem:$0x3FBA]  }
0x3d: {  	_ =	shalt  }
0x3e: {  	_ =	shalt  }
0x3f: {  	_ =	shalt  }
0x40: {  	_ =	shalt  }
0x41: {  	_ =	shalt  }
0x42: {  	_ =	shalt  }
0x43: {  	_ =	shalt  }
0x44: {  	_ =	shalt  }
0x45: {  	_ =	shalt  }
0x46: {  	_ =	shalt  }
0x47: {  	_ =	shalt  }
0x48: {  	_ =	shalt  }
0x49: {  	_ =	shalt  }
0x4a: {  	_ =	shalt  }
0x4b: {  	_ =	shalt  }
0x4c: {  	_ =	shalt  }
0x4d: {  	_ =	shalt  }
0x4e: {  	_ =	shalt  }
0x4f: {  	_ =	shalt  }
0x50: {  	_ =	shalt  }
0x51: {  	_ =	shalt  }
0x52: {  	_ =	shalt  }
0x53: {  	_ =	shalt  }
0x54: {  	_ =	shalt  }
0x55: {  	_ =	shalt  }
0x56: {  	_ =	shalt  }
0x57: {  	_ =	shalt  }
0x58: {  	_ =	shalt  }
0x59: {  	_ =	shalt  }
0x5a: {  	_ =	shalt  }
0x5b: {  	_ =	shalt  }
0x5c: {  	_ =	shalt  }
0x5d: {  	_ =	shalt  }
0x5e: {  	_ =	shalt  }
0x5f: {  	_ =	shalt  }
0x60: {  	_ =	shalt  }
0x61: {  	_ =	shalt  }
0x62: {  	_ =	shalt  }
0x63: {  	_ =	shalt  }
0x64: {  	_ =	shalt  }
0x65: {  	_ =	shalt  }
0x66: {  	_ =	shalt  }
0x67: {  	_ =	shalt  }
0x68: {  	_ =	shalt  }
0x69: {  	_ =	shalt  }
0x6a: {  	_ =	shalt  }
0x6b: {  	_ =	shalt  }
0x6c: {  	_ =	shalt  }
0x6d: {  	_ =	shalt  }
0x6e: {  	_ =	shalt  }
0x6f: {  	_ =	shalt  }
0x70: {  	_ =	shalt  }
0x71: {  	_ =	shalt  }
0x72: {  	_ =	shalt  }
0x73: {  	_ =	shalt  }
0x74: {  	_ =	shalt  }
0x75: {  	_ =	shalt  }
0x76: {  	_ =	shalt  }
0x77: {  	_ =	shalt  }
0x78: {  	_ =	shalt  }
0x79: {  	_ =	shalt  }
0x7a: {  	_ =	shalt  }
0x7b: {  	_ =	shalt  }
0x7c: {  	_ =	shalt  }
0x7d: {  	_ =	shalt  }
0x7e: {  	_ =	shalt  }
0x7f: {  	_ =	shalt  }
0x80: {  	_ =	shalt  }
0x81: {  	_ =	shalt  }
0x82: {  	_ =	shalt  }
0x83: {  	_ =	shalt  }
0x84: {  	_ =	shalt  }
0x85: {  	_ =	shalt  }
0x86: {  	_ =	shalt  }
0x87: {  	_ =	shalt  }
.Lfunc_end0:
.L_simem_size_0:
called_computation.1_lowered:
.L_overlay_start_0:
0x88: {  	s2 =	sld [smem:$0x3FD9]  }
0x89: {  	s3 =	sld [smem:$0x3FFE];
	_ =	sdelay $0x1  }
0x8a: {  	s1 =	srdreg.scid  }
0x8b: {  	s0 =	sand.u32 $0x1, s1  }
0x8c: {  	s17 =	sshll.u32 s0, $0xA;
	s2 =	sadd.s32 s3, s2  }
0x8d: {  	s2 =	sadd.s32 s2, s17  }
0x8e: {  	[smem:$0x3FC6] =	sst s2  }
0x8f: {  	_ = 	snop  }
0x90: {  	s2 =	sld [smem:$0x3FD0];
	(tm) =	ssettm $0x1  }
0x91: {  	s18 =	sld [smem:$0x3FFB];
	_ =	sdelay $0x3  }
0x92: {  	_ =	strace s18  }
0x93: {  	s3 =	sld [smem:$0x3FFC];
	_ =	sdelay $0x3  }
0x94: {  	_ =	strace s3  }
0x95: {  	s3 =	sld [smem:$0x3FFD];
	_ =	sdelay $0x3  }
0x96: {  	_ =	strace s3  }
0x97: {  	_ =	strace $0x8FFFFFFF  }
0x98: {  	s19 =	sld [smem:$0x3FDB];
	_ =	sdelay $0x1  }
0x99: {  	s4 =	simm.s32 $_scs_section_size  }
0x9a: {  	s5 =	simm.s32 $_size__tile_overlayer_lowered;
	s6 =	simm.s32 $_tile_overlayer_lowered  }
0x9b: {  	s22 =	simm.s32 $0x1BFF;
	s21 =	sshll.u32 s6, $0x1;
	s3 =	sadd.s32 s4, s19  }
0x9c: {  	s7 =	simm.s32 $0x0;
	s20 =	sshll.u32 s5, $0x1;
	s5 =	sadd.s32 s21, s3  }
0x9d: {  	[timem:s7], [sflag:s22] =	dma.local [hbm:s5], s20  }
0x9e: {  	_ =	swait.ge [sflag:s22], s20  }
0x9f: {  	s4 =	ssub.s32 $0x0, s20;
	[sflag:s22] =	ssyncset.done $0x0  }
0xa0: {  	[sflag:s22] =	ssyncadd.s32 s4;
	_ =	sdelay $0x1  }
0xa1: {  	s23 =	simm.s32 $0x1B8B  }
0xa2: {  	_ =	swait.ge [sflag:s23], $0x1  }
0xa3: {  	[sflag:s23] =	ssyncset.done $0x0  }
0xa4: {  	s25 =	simm.s32 $0x1B8E;
	s24 =	sld [smem:$0x3FFE];
	[sflag:s23] =	ssyncadd.s32 $0xFFFFFFFF  }
0xa5: {  	s26 =	simm.s32 $execute0_lowered;
	[smem:$0x3FD2] =	sst s25  }
0xa6: {  	s5 =	sshll.u32 s26, $0x1;
	_ =	strace $0x80000049;
	[dreg:$0x1] =	wrdreg $0xFFFFFFFF  }
0xa7: {  	s28 =	simm.s32 $_size_execute0_lowered;
	s3 =	sadd.s32 s3, s5;
	[dreg:$0x0] =	wrdreg $0x0  }
0xa8: {  	s5 =	sshll.u32 s28, $0x1;
	[dreg:$0x2] =	wrdreg s3  }
0xa9: {  	[dreg:$0x3] =	wrdreg s5  }
0xaa: {  	[dreg:$0x4] =	wrdreg $0xC0  }
0xab: {  	_ =	task [dreg:s7], $0x5FFFF  }
0xac: {  	[dreg:$0x1] =	wrdreg $0xFFFFFFFF  }
0xad: {  	[dreg:$0x0] =	wrdreg $0x60  }
0xae: {  	[dreg:$0x2] =	wrdreg s24  }
0xaf: {  	[dreg:$0x3] =	wrdreg s2  }
0xb0: {  	[dreg:$0x4] =	wrdreg $0x9  }
0xb1: {  	_ =	task.clear_ibuf [dreg:s7], $0x5FFFF;
	_ =	strace $0x90000049  }
0xb2: {  	s29 =	simm.s32 $0x9;
	_ =	strace $0x8000004B  }
0xb3: {  	_ =	swait.ge [sflag:s29], $0x1  }
0xb4: {  	[sflag:s29] =	ssyncadd.s32 $0xFFFFFFFF  }
0xb5: {  	_ =	strace $0x9000004B  }
0xb6: {  	_ =	sfence  }
0xb7: {  	s30 =	sld [smem:$0x0];
	_ =	sdelay $0x2  }
0xb8: {  	s31 =	sshll.u32 s1, $0xD;
	s1 =	sshrl.u32 s1, $0x2  }
0xb9: {  	s3 =	sand.u32 $0x4000, s31;
	s1 =	sadd.s32 s1, s30  }
0xba: {  	s0 =	sor.u32 s3, s0;
	s1 =	sshll.u32 s1, $0x11  }
0xbb: {  	s0 =	sor.u32 s1, s0  }
0xbc: {  	s0 =	sadd.s32 $0x8F2B, s0  }
0xbd: {  	[sflag:s0] =	ssyncadd.remote.s32 $0x1  }
0xbe: {  	_ =	sfence.sel $0xFFFF  }
0xbf: {  	[dreg:$0x0] =	wrdreg $0xFFFFFFFF;
	(pc) =	sbr.abs _section_cstart, $3  }
0xc0: {  	[dreg:$0x1] =	wrdreg $0xFFFFFFFF  }
0xc1: {  	_ =	task.clear_ibuf [dreg:s7], $0x2FFFF;
	_ =	strace $0x9FFFFFFF  }
0xc2: {  	(tm) =	ssettm $0x7FFFFFFF  }
0xc3: {  	_ =	shalt  }
tec
execute0_lowered:
.L_overlay_start_1:
0x0: {  	(tag) =	ssettag $0x1  }
0x1: {  	s1 =	srdreg.scid;
	s0 =	stileid.u32  }
0x2: {  	s6 =	sand.u32 $0x1, s1;
	s30 =	sshll.u32 s0, $0x1  }
0x3: {  	s5 =	rddreg [dreg:$0x0];
	s1 =	sor.u32 s6, s30  }
0x4: {  	s8 =	rddreg [dreg:$0x1];
	s2 =	simm.s32 $0x0;
	s9 =	smul.u32 $0x680, s1  }
0x5: {  	[smem:$0x7FF] =	sst s2  }
0x6: {  	s10 =	ssub.s32 $0x2, s6;
	s1 =	rddreg [dreg:$0x2];
	s3 =	sadd.s32 s9, s5  }
0x7: {  	_ =	strace $0x8000004A;
	s4 =	sadd.s32 $0x600, s3;
	s3 =	simm.s32 $0x2  }
0x8: {  	[tilespmem:s2], [sflag:$0x2] =	stream.linear.gather [hbm4b:s4+s2], $0x3400, $0x38;
	[tilespmem:$0x6800] =	vst v63  }
0x9: {  	s7 =	simm.s32 $0x1;
	s11 =	sshrl.u32 s10, $0x1;
	_ =	swait.ge [sflag:s3], $0x3400  }
0xa: {  	s6 =	simm.s32 $0x3400;
	s10 =	ssub.s32 s10, s11;
	[sflag:s3] =	ssyncset.done $0x0  }
0xb: {  	s5 =	sadd.s32 $0xD600, s5;
	s31 =	smax.u32 s10, $0x1;
	[sflag:s3] =	ssyncadd.s32 $0xFFFFCC00  }
0xc: {  	[tilespmem:s6], [sflag:$0x1] =	stream.indirect.gather [hbm4b:s5+s6], $0x1, s2, s6, $0xb8;
	[tilespmem:$0x6800] =	vst v63  }
0xd: {  	p0 =	sne.s32 s31, $0x1;
	_ =	swait.ge [sflag:s7], $0x3400  }
.Ltmp0:
0xe: {  	[sflag:s7] =	ssyncset.done $0x0;
	(pc) =	sbr.rel @!p0 .LBB2_2-.Ltmp0, $4  }
0xf: {  	s8 =	sadd.s32 s8, s9;
	[sflag:s7] =	ssyncadd.s32 $0xFFFFCC00  }
0x10: {  	[hbm4b:s8+s2] =	stream.linear.scatter [tilespmem:s6], [sflag:$0x2], $0x3400, $0x38;
	[tilespmem:$0x6800] =	vst v63  }
0x11: {  	_ =	swait.ge [sflag:s3], $0x3400  }
0x12: {  	s9 =	sadd.s32 $0xFFFFFFFF, s31;
	[sflag:s3] =	ssyncset.done $0x0  }
.LBB2_1:
0x13: {  	p0 =	sne.s32 s9, $0x1;
	s9 =	sadd.s32 $0xFFFFFFFF, s9;
	[sflag:s3] =	ssyncadd.s32 $0xFFFFCC00  }
0x14: {  	[tilespmem:s2], [sflag:$0x2] =	stream.linear.gather [hbm4b:s4+s2], $0x3400, $0x38;
	[tilespmem:$0x6800] =	vst v63  }
0x15: {  	_ =	swait.ge [sflag:s3], $0x3400  }
0x16: {  	[sflag:s3] =	ssyncset.done $0x0  }
0x17: {  	[sflag:s3] =	ssyncadd.s32 $0xFFFFCC00  }
0x18: {  	[tilespmem:s6], [sflag:$0x1] =	stream.indirect.gather [hbm4b:s5+s6], $0x1, s2, s6, $0xb8;
	[tilespmem:$0x6800] =	vst v63  }
0x19: {  	_ =	swait.ge [sflag:s7], $0x3400  }
.Ltmp1:
0x1a: {  	[sflag:s7] =	ssyncset.done $0x0;
	(pc) =	sbr.rel @p0 .LBB2_1-.Ltmp1, $4  }
0x1b: {  	[sflag:s7] =	ssyncadd.s32 $0xFFFFCC00  }
0x1c: {  	[hbm4b:s8+s2] =	stream.linear.scatter [tilespmem:s6], [sflag:$0x2], $0x3400, $0x38;
	[tilespmem:$0x6800] =	vst v63  }
0x1d: {  	_ =	swait.ge [sflag:s3], $0x3400  }
0x1e: {  	[sflag:s3] =	ssyncset.done $0x0  }
.LBB2_2:
0x1f: {  	[sflag:s3] =	ssyncadd.s32 $0xFFFFCC00  }
0x20: {  	_ =	sfence.sel $0x180000  }
0x21: {  	[bflag:$0x0] =	sbarrier.arrive $0xFFFF  }
0x22: {  	p0 =	sne.s32 s0, $0x0;
	_ =	strace $0x9000004A  }
0x23: {  	s0 =	sadd.s32 @!p0 $0x100000, s1;
	[bflag:$0x2] =	sbarrier.arrive $0xFFFF  }
0x24: {  	[sflag:s0] =	ssyncadd.tile.s32 @!p0 $0x1;
	_ =	shalt  }
.Lfunc_end2:
_tile_overlayer_lowered:
.L_overlay_start_2:
0x25: {  	(tag) =	ssettag $0x2  }
0x26: {  	s0 =	rddreg [dreg:$0x0];
	s2 =	stileid.u32  }
0x27: {  	s1 =	rddreg [dreg:$0x1];
	p0 =	sne.s32 s2, $0x0  }
0x28: {  	s3 =	rddreg [dreg:$0x2];
	[bflag:$0x3] =	sbarrier.arrive $0xFFFF;
	s2 =	simm.s32 @!p0 $0x1C02  }
0x29: {  	[timem:s3], [sflag:s2] =	dma.local @!p0 [hbm:s0], s1  }
0x2a: {  	s0 =	simm.s32 @!p0 $0x2  }
0x2b: {  	_ =	swait.ge @!p0 [sflag:s0], s1  }
0x2c: {  	s1 =	ssub.s32 @!p0 $0x0, s1;
	[sflag:s0] =	ssyncset.done @!p0 $0x0  }
0x2d: {  	[sflag:s0] =	ssyncadd.s32 @!p0 s1  }
0x2e: {  	[bflag:$0x3] =	sbarrier.arrive $0xFFFF  }
0x2f: {  	_ =	shalt  }

</sc_bundles>
